<compile_context>
chip_gen: v7x
topology: tpu7x:2x2x1
jax: 0.10.2.dev20260603
libtpu: 0.0.44.dev20260713+nightly
codegen_flags: <defaults>
</compile_context>

<pallas_src>
import functools

import jax
import jax.numpy as jnp
from jax import lax
from jax.experimental import pallas as pl
from jax.experimental.pallas import tpu as pltpu
from jax.experimental.pallas import tpu_sc as plsc

BATCH = 16384
D = 64
L = 16
NC, NS = 2, 16
NW = NC * NS
BPW = BATCH // NW
CHUNK = 128
NCHUNK = BPW // CHUNK
GROUPS = BPW // L

_mesh = plsc.VectorSubcoreMesh(core_axis_name="c", subcore_axis_name="s")


@functools.partial(
    pl.kernel,
    mesh=_mesh,
    out_type=jax.ShapeDtypeStruct((BATCH,), jnp.float32),
    compiler_params=pltpu.CompilerParams(needs_layout_passes=False,
                                         use_tc_tiling_on_sc=False),
    scratch_types=[
        pltpu.VMEM((BPW,), jnp.int32),
        pltpu.VMEM((BPW,), jnp.int32),
        pltpu.VMEM((BPW, D), jnp.float32),
        pltpu.VMEM((BPW, D), jnp.float32),
        pltpu.VMEM((BPW,), jnp.float32),
        pltpu.SemaphoreType.DMA,
        pltpu.SemaphoreType.DMA,
    ],
)
def _bi_encoder(uidx_hbm, bidx_hbm, utab_hbm, btab_hbm, out_hbm,
                uidx_v, bidx_v, urows_v, brows_v, out_v, sem_u, sem_b):
    wid = lax.axis_index("s") * NC + lax.axis_index("c")
    base = wid * BPW

    pltpu.sync_copy(uidx_hbm.at[pl.ds(base, BPW)], uidx_v)
    pltpu.sync_copy(bidx_hbm.at[pl.ds(base, BPW)], bidx_v)

    copies = []
    for c in range(NCHUNK):
        sl = pl.ds(c * CHUNK, CHUNK)
        copies.append(
            pltpu.async_copy(utab_hbm.at[uidx_v.at[sl]], urows_v.at[sl], sem_u))
        copies.append(
            pltpu.async_copy(btab_hbm.at[bidx_v.at[sl]], brows_v.at[sl], sem_b))
    for cp in copies:
        cp.wait()

    viota = lax.iota(jnp.int32, L)

    def gbody(g, carry):
        rows = g * L + viota

        def dbody(d, acc):
            cols = jnp.full((L,), d, jnp.int32)
            uu = plsc.load_gather(urows_v, [rows, cols])
            bb = plsc.load_gather(brows_v, [rows, cols])
            return acc + uu * bb

        acc = lax.fori_loop(0, D, dbody, jnp.zeros((L,), jnp.float32),
                            unroll=8)
        out_v[pl.ds(g * L, L)] = 1.0 / (1.0 + jnp.exp(-acc))
        return carry

    lax.fori_loop(0, GROUPS, gbody, 0)

    pltpu.sync_copy(out_v, out_hbm.at[pl.ds(base, BPW)])


def kernel(user_indices, book_indices, user_table, book_table):
    return _bi_encoder(user_indices.astype(jnp.int32),
                       book_indices.astype(jnp.int32),
                       user_table, book_table)

# --- scband reference (transcript-rebuilt; emitter-appended) ---
"""Pipeline reference for scband-bi-encoder-model-7404523618476 (READ-ONLY COPY).

The authoritative reference and input builder live on the scoring server;
editing this copy changes nothing except your own understanding.
"""

import jax, jax.numpy as jnp
import numpy as np

NUM_USERS = 1000000
NUM_BOOKS = 1000000
EMBED_DIM = 64
BATCH = 16384

def _xavier_uniform(key, shape):
    fan_in, fan_out = shape[1], shape[0]
    a = jnp.sqrt(6.0 / (fan_in + fan_out))
    return jax.random.uniform(key, shape, dtype=jnp.float32, minval=-a, maxval=a)

def setup_inputs(seed: int = 0) -> dict:
    key = jax.random.key(seed)
    k1, k2, k3, k4 = jax.random.split(key, 4)
    user_indices = jax.random.randint(k1, (BATCH,), 0, NUM_USERS, dtype=jnp.int64) if jax.config.jax_enable_x64 else jax.random.randint(k1, (BATCH,), 0, NUM_USERS, dtype=jnp.int32)
    book_indices = jax.random.randint(k2, (BATCH,), 0, NUM_BOOKS, dtype=jnp.int64) if jax.config.jax_enable_x64 else jax.random.randint(k2, (BATCH,), 0, NUM_BOOKS, dtype=jnp.int32)
    user_table = _xavier_uniform(k3, (NUM_USERS, EMBED_DIM))
    book_table = _xavier_uniform(k4, (NUM_BOOKS, EMBED_DIM))
    return {
        "user_indices": user_indices,
        "book_indices": book_indices,
        "user_table": user_table,
        "book_table": book_table,
    }

def reference(user_indices, book_indices, user_table, book_table):
    user_embeds = jnp.take(user_table, user_indices, axis=0)
    book_embeds = jnp.take(book_table, book_indices, axis=0)
    scores = jnp.sum(user_embeds * book_embeds, axis=1)
    probs = jax.nn.sigmoid(scores)
    return probs

if __name__ == "__main__":
    import jax
    _d = setup_inputs()
    print(jax.jit(kernel)(*tuple(_d.values())))

</pallas_src>

<mosaic_0001>
#map = affine_map<(d0, d1) -> (0)>
#map1 = affine_map<(d0, d1) -> (0, 0)>
module attributes {stable_mosaic.version = 14 : i64} {
  func.func @_bi_encoder(%arg0: i32, %arg1: i32, %arg2: memref<16384xi32, #tpu.memory_space<hbm>>, %arg3: memref<16384xi32, #tpu.memory_space<hbm>>, %arg4: memref<1000000x64xf32, #tpu.memory_space<hbm>>, %arg5: memref<1000000x64xf32, #tpu.memory_space<hbm>>, %arg6: memref<16384xf32, #tpu.memory_space<hbm>>, %arg7: memref<512xi32, #tpu.memory_space<vmem>>, %arg8: memref<512xi32, #tpu.memory_space<vmem>>, %arg9: memref<512x64xf32, #tpu.memory_space<vmem>>, %arg10: memref<512x64xf32, #tpu.memory_space<vmem>>, %arg11: memref<512xf32, #tpu.memory_space<vmem>>, %arg12: memref<!tpu.dma_semaphore, #tpu.memory_space<semaphore_mem>>, %arg13: memref<!tpu.dma_semaphore, #tpu.memory_space<semaphore_mem>>) attributes {dimension_semantics = [#tpu.dimension_semantics<core_parallel>, #tpu.dimension_semantics<subcore_parallel>], iteration_bounds = array<i64: 2, 16>, scalar_prefetch = 0 : i64, scratch_operands = 7 : i64, tpu.core_type = #tpu.core_type<sc_vector_subcore>, window_params = [{transform_indices = #map}, {transform_indices = #map}, {transform_indices = #map1}, {transform_indices = #map1}, {transform_indices = #map}]} {
    %mul3A = arith.constant 2 : i32
    %mul3A_0 = arith.muli %arg1, %mul3A : i32
    %add3A = arith.addi %mul3A_0, %arg0 : i32
    %mul3A_1 = arith.constant 512 : i32
    %mul3A_2 = arith.muli %add3A, %mul3A_1 : i32
    "tpu.region"() ({
      %run_scoped3A = tpu.sem_alloc : memref<!tpu.dma_semaphore, #tpu.memory_space<semaphore_mem>>
      %dma_start3A_134 = tpu.memref_slice %arg2[%mul3A_2] : memref<16384xi32, #tpu.memory_space<hbm>> -> memref<512xi32, #tpu.memory_space<hbm>>
      %dma_start3A_135 = tpu.memref_slice %arg2[%mul3A_2] : memref<16384xi32, #tpu.memory_space<hbm>> -> memref<512xi32, #tpu.memory_space<hbm>>
      tpu.enqueue_dma source(%dma_start3A_135 : memref<512xi32, #tpu.memory_space<hbm>>) target(%arg7 : memref<512xi32, #tpu.memory_space<vmem>>) target_semaphore(%run_scoped3A : memref<!tpu.dma_semaphore, #tpu.memory_space<semaphore_mem>>)
      %dma_wait3A_136 = tpu.memref_slice %arg2[%mul3A_2] : memref<16384xi32, #tpu.memory_space<hbm>> -> memref<512xi32, #tpu.memory_space<hbm>>
      %dma_wait3A_137 = tpu.memref_slice %arg2[%mul3A_2] : memref<16384xi32, #tpu.memory_space<hbm>> -> memref<512xi32, #tpu.memory_space<hbm>>
      tpu.wait_dma2 semaphore(%run_scoped3A : memref<!tpu.dma_semaphore, #tpu.memory_space<semaphore_mem>>) src(%dma_wait3A_137 : memref<512xi32, #tpu.memory_space<hbm>>) dst(%arg7 : memref<512xi32, #tpu.memory_space<vmem>>)
      tpu.yield
    }) : () -> ()
    "tpu.region"() ({
      %run_scoped3A = tpu.sem_alloc : memref<!tpu.dma_semaphore, #tpu.memory_space<semaphore_mem>>
      %dma_start3A_134 = tpu.memref_slice %arg3[%mul3A_2] : memref<16384xi32, #tpu.memory_space<hbm>> -> memref<512xi32, #tpu.memory_space<hbm>>
      %dma_start3A_135 = tpu.memref_slice %arg3[%mul3A_2] : memref<16384xi32, #tpu.memory_space<hbm>> -> memref<512xi32, #tpu.memory_space<hbm>>
      tpu.enqueue_dma source(%dma_start3A_135 : memref<512xi32, #tpu.memory_space<hbm>>) target(%arg8 : memref<512xi32, #tpu.memory_space<vmem>>) target_semaphore(%run_scoped3A : memref<!tpu.dma_semaphore, #tpu.memory_space<semaphore_mem>>)
      %dma_wait3A_136 = tpu.memref_slice %arg3[%mul3A_2] : memref<16384xi32, #tpu.memory_space<hbm>> -> memref<512xi32, #tpu.memory_space<hbm>>
      %dma_wait3A_137 = tpu.memref_slice %arg3[%mul3A_2] : memref<16384xi32, #tpu.memory_space<hbm>> -> memref<512xi32, #tpu.memory_space<hbm>>
      tpu.wait_dma2 semaphore(%run_scoped3A : memref<!tpu.dma_semaphore, #tpu.memory_space<semaphore_mem>>) src(%dma_wait3A_137 : memref<512xi32, #tpu.memory_space<hbm>>) dst(%arg8 : memref<512xi32, #tpu.memory_space<vmem>>)
      tpu.yield
    }) : () -> ()
    %dma_start3A = arith.constant 0 : i32
    %dma_start3A_3 = arith.constant 0 : i32
    %dma_start3A_4 = tpu.memref_slice %arg9[%dma_start3A, %dma_start3A_3] : memref<512x64xf32, #tpu.memory_space<vmem>> -> memref<128x64xf32, #tpu.memory_space<vmem>>
    %dma_start3A_5 = arith.constant 0 : i32
    %dma_start3A_6 = tpu.memref_slice %arg7[%dma_start3A_5] : memref<512xi32, #tpu.memory_space<vmem>> -> memref<128xi32, #tpu.memory_space<vmem>>
    %dma_start3A_7 = arith.constant 0 : i32
    %dma_start3A_8 = arith.constant 0 : i32
    %dma_start3A_9 = tpu.memref_slice %arg4[%dma_start3A_7, %dma_start3A_8] : memref<1000000x64xf32, #tpu.memory_space<hbm>> -> memref<1000000x64xf32, #tpu.memory_space<hbm>>
    tpu.enqueue_indirect_dma source(%dma_start3A_9 : memref<1000000x64xf32, #tpu.memory_space<hbm>>) target(%dma_start3A_4 : memref<128x64xf32, #tpu.memory_space<vmem>>) offsets(%dma_start3A_6 : memref<128xi32, #tpu.memory_space<vmem>>) semaphore(%arg12 : memref<!tpu.dma_semaphore, #tpu.memory_space<semaphore_mem>>)
    %dma_start3A_10 = arith.constant 0 : i32
    %dma_start3A_11 = arith.constant 0 : i32
    %dma_start3A_12 = tpu.memref_slice %arg10[%dma_start3A_10, %dma_start3A_11] : memref<512x64xf32, #tpu.memory_space<vmem>> -> memref<128x64xf32, #tpu.memory_space<vmem>>
    %dma_start3A_13 = arith.constant 0 : i32
    %dma_start3A_14 = tpu.memref_slice %arg8[%dma_start3A_13] : memref<512xi32, #tpu.memory_space<vmem>> -> memref<128xi32, #tpu.memory_space<vmem>>
    %dma_start3A_15 = arith.constant 0 : i32
    %dma_start3A_16 = arith.constant 0 : i32
    %dma_start3A_17 = tpu.memref_slice %arg5[%dma_start3A_15, %dma_start3A_16] : memref<1000000x64xf32, #tpu.memory_space<hbm>> -> memref<1000000x64xf32, #tpu.memory_space<hbm>>
    tpu.enqueue_indirect_dma source(%dma_start3A_17 : memref<1000000x64xf32, #tpu.memory_space<hbm>>) target(%dma_start3A_12 : memref<128x64xf32, #tpu.memory_space<vmem>>) offsets(%dma_start3A_14 : memref<128xi32, #tpu.memory_space<vmem>>) semaphore(%arg13 : memref<!tpu.dma_semaphore, #tpu.memory_space<semaphore_mem>>)
    %dma_start3A_18 = arith.constant 128 : i32
    %dma_start3A_19 = arith.constant 0 : i32
    %dma_start3A_20 = tpu.memref_slice %arg9[%dma_start3A_18, %dma_start3A_19] : memref<512x64xf32, #tpu.memory_space<vmem>> -> memref<128x64xf32, #tpu.memory_space<vmem>>
    %dma_start3A_21 = arith.constant 128 : i32
    %dma_start3A_22 = tpu.memref_slice %arg7[%dma_start3A_21] : memref<512xi32, #tpu.memory_space<vmem>> -> memref<128xi32, #tpu.memory_space<vmem>>
    %dma_start3A_23 = arith.constant 0 : i32
    %dma_start3A_24 = arith.constant 0 : i32
    %dma_start3A_25 = tpu.memref_slice %arg4[%dma_start3A_23, %dma_start3A_24] : memref<1000000x64xf32, #tpu.memory_space<hbm>> -> memref<1000000x64xf32, #tpu.memory_space<hbm>>
    tpu.enqueue_indirect_dma source(%dma_start3A_25 : memref<1000000x64xf32, #tpu.memory_space<hbm>>) target(%dma_start3A_20 : memref<128x64xf32, #tpu.memory_space<vmem>>) offsets(%dma_start3A_22 : memref<128xi32, #tpu.memory_space<vmem>>) semaphore(%arg12 : memref<!tpu.dma_semaphore, #tpu.memory_space<semaphore_mem>>)
    %dma_start3A_26 = arith.constant 128 : i32
    %dma_start3A_27 = arith.constant 0 : i32
    %dma_start3A_28 = tpu.memref_slice %arg10[%dma_start3A_26, %dma_start3A_27] : memref<512x64xf32, #tpu.memory_space<vmem>> -> memref<128x64xf32, #tpu.memory_space<vmem>>
    %dma_start3A_29 = arith.constant 128 : i32
    %dma_start3A_30 = tpu.memref_slice %arg8[%dma_start3A_29] : memref<512xi32, #tpu.memory_space<vmem>> -> memref<128xi32, #tpu.memory_space<vmem>>
    %dma_start3A_31 = arith.constant 0 : i32
    %dma_start3A_32 = arith.constant 0 : i32
    %dma_start3A_33 = tpu.memref_slice %arg5[%dma_start3A_31, %dma_start3A_32] : memref<1000000x64xf32, #tpu.memory_space<hbm>> -> memref<1000000x64xf32, #tpu.memory_space<hbm>>
    tpu.enqueue_indirect_dma source(%dma_start3A_33 : memref<1000000x64xf32, #tpu.memory_space<hbm>>) target(%dma_start3A_28 : memref<128x64xf32, #tpu.memory_space<vmem>>) offsets(%dma_start3A_30 : memref<128xi32, #tpu.memory_space<vmem>>) semaphore(%arg13 : memref<!tpu.dma_semaphore, #tpu.memory_space<semaphore_mem>>)
    %dma_start3A_34 = arith.constant 256 : i32
    %dma_start3A_35 = arith.constant 0 : i32
    %dma_start3A_36 = tpu.memref_slice %arg9[%dma_start3A_34, %dma_start3A_35] : memref<512x64xf32, #tpu.memory_space<vmem>> -> memref<128x64xf32, #tpu.memory_space<vmem>>
    %dma_start3A_37 = arith.constant 256 : i32
    %dma_start3A_38 = tpu.memref_slice %arg7[%dma_start3A_37] : memref<512xi32, #tpu.memory_space<vmem>> -> memref<128xi32, #tpu.memory_space<vmem>>
    %dma_start3A_39 = arith.constant 0 : i32
    %dma_start3A_40 = arith.constant 0 : i32
    %dma_start3A_41 = tpu.memref_slice %arg4[%dma_start3A_39, %dma_start3A_40] : memref<1000000x64xf32, #tpu.memory_space<hbm>> -> memref<1000000x64xf32, #tpu.memory_space<hbm>>
    tpu.enqueue_indirect_dma source(%dma_start3A_41 : memref<1000000x64xf32, #tpu.memory_space<hbm>>) target(%dma_start3A_36 : memref<128x64xf32, #tpu.memory_space<vmem>>) offsets(%dma_start3A_38 : memref<128xi32, #tpu.memory_space<vmem>>) semaphore(%arg12 : memref<!tpu.dma_semaphore, #tpu.memory_space<semaphore_mem>>)
    %dma_start3A_42 = arith.constant 256 : i32
    %dma_start3A_43 = arith.constant 0 : i32
    %dma_start3A_44 = tpu.memref_slice %arg10[%dma_start3A_42, %dma_start3A_43] : memref<512x64xf32, #tpu.memory_space<vmem>> -> memref<128x64xf32, #tpu.memory_space<vmem>>
    %dma_start3A_45 = arith.constant 256 : i32
    %dma_start3A_46 = tpu.memref_slice %arg8[%dma_start3A_45] : memref<512xi32, #tpu.memory_space<vmem>> -> memref<128xi32, #tpu.memory_space<vmem>>
    %dma_start3A_47 = arith.constant 0 : i32
    %dma_start3A_48 = arith.constant 0 : i32
    %dma_start3A_49 = tpu.memref_slice %arg5[%dma_start3A_47, %dma_start3A_48] : memref<1000000x64xf32, #tpu.memory_space<hbm>> -> memref<1000000x64xf32, #tpu.memory_space<hbm>>
    tpu.enqueue_indirect_dma source(%dma_start3A_49 : memref<1000000x64xf32, #tpu.memory_space<hbm>>) target(%dma_start3A_44 : memref<128x64xf32, #tpu.memory_space<vmem>>) offsets(%dma_start3A_46 : memref<128xi32, #tpu.memory_space<vmem>>) semaphore(%arg13 : memref<!tpu.dma_semaphore, #tpu.memory_space<semaphore_mem>>)
    %dma_start3A_50 = arith.constant 384 : i32
    %dma_start3A_51 = arith.constant 0 : i32
    %dma_start3A_52 = tpu.memref_slice %arg9[%dma_start3A_50, %dma_start3A_51] : memref<512x64xf32, #tpu.memory_space<vmem>> -> memref<128x64xf32, #tpu.memory_space<vmem>>
    %dma_start3A_53 = arith.constant 384 : i32
    %dma_start3A_54 = tpu.memref_slice %arg7[%dma_start3A_53] : memref<512xi32, #tpu.memory_space<vmem>> -> memref<128xi32, #tpu.memory_space<vmem>>
    %dma_start3A_55 = arith.constant 0 : i32
    %dma_start3A_56 = arith.constant 0 : i32
    %dma_start3A_57 = tpu.memref_slice %arg4[%dma_start3A_55, %dma_start3A_56] : memref<1000000x64xf32, #tpu.memory_space<hbm>> -> memref<1000000x64xf32, #tpu.memory_space<hbm>>
    tpu.enqueue_indirect_dma source(%dma_start3A_57 : memref<1000000x64xf32, #tpu.memory_space<hbm>>) target(%dma_start3A_52 : memref<128x64xf32, #tpu.memory_space<vmem>>) offsets(%dma_start3A_54 : memref<128xi32, #tpu.memory_space<vmem>>) semaphore(%arg12 : memref<!tpu.dma_semaphore, #tpu.memory_space<semaphore_mem>>)
    %dma_start3A_58 = arith.constant 384 : i32
    %dma_start3A_59 = arith.constant 0 : i32
    %dma_start3A_60 = tpu.memref_slice %arg10[%dma_start3A_58, %dma_start3A_59] : memref<512x64xf32, #tpu.memory_space<vmem>> -> memref<128x64xf32, #tpu.memory_space<vmem>>
    %dma_start3A_61 = arith.constant 384 : i32
    %dma_start3A_62 = tpu.memref_slice %arg8[%dma_start3A_61] : memref<512xi32, #tpu.memory_space<vmem>> -> memref<128xi32, #tpu.memory_space<vmem>>
    %dma_start3A_63 = arith.constant 0 : i32
    %dma_start3A_64 = arith.constant 0 : i32
    %dma_start3A_65 = tpu.memref_slice %arg5[%dma_start3A_63, %dma_start3A_64] : memref<1000000x64xf32, #tpu.memory_space<hbm>> -> memref<1000000x64xf32, #tpu.memory_space<hbm>>
    tpu.enqueue_indirect_dma source(%dma_start3A_65 : memref<1000000x64xf32, #tpu.memory_space<hbm>>) target(%dma_start3A_60 : memref<128x64xf32, #tpu.memory_space<vmem>>) offsets(%dma_start3A_62 : memref<128xi32, #tpu.memory_space<vmem>>) semaphore(%arg13 : memref<!tpu.dma_semaphore, #tpu.memory_space<semaphore_mem>>)
    %dma_wait3A = arith.constant 0 : i32
    %dma_wait3A_66 = arith.constant 0 : i32
    %dma_wait3A_67 = tpu.memref_slice %arg9[%dma_wait3A, %dma_wait3A_66] : memref<512x64xf32, #tpu.memory_space<vmem>> -> memref<128x64xf32, #tpu.memory_space<vmem>>
    %dma_wait3A_68 = arith.constant 0 : i32
    %dma_wait3A_69 = tpu.memref_slice %arg7[%dma_wait3A_68] : memref<512xi32, #tpu.memory_space<vmem>> -> memref<128xi32, #tpu.memory_space<vmem>>
    %dma_wait3A_70 = arith.constant 0 : i32
    %dma_wait3A_71 = arith.constant 0 : i32
    %dma_wait3A_72 = tpu.memref_slice %arg4[%dma_wait3A_70, %dma_wait3A_71] : memref<1000000x64xf32, #tpu.memory_space<hbm>> -> memref<1000000x64xf32, #tpu.memory_space<hbm>>
    tpu.wait_indirect_dma semaphore(%arg12 : memref<!tpu.dma_semaphore, #tpu.memory_space<semaphore_mem>>) src(%dma_wait3A_72 : memref<1000000x64xf32, #tpu.memory_space<hbm>>) dst(%dma_wait3A_67 : memref<128x64xf32, #tpu.memory_space<vmem>>)
    %dma_wait3A_73 = arith.constant 0 : i32
    %dma_wait3A_74 = arith.constant 0 : i32
    %dma_wait3A_75 = tpu.memref_slice %arg10[%dma_wait3A_73, %dma_wait3A_74] : memref<512x64xf32, #tpu.memory_space<vmem>> -> memref<128x64xf32, #tpu.memory_space<vmem>>
    %dma_wait3A_76 = arith.constant 0 : i32
    %dma_wait3A_77 = tpu.memref_slice %arg8[%dma_wait3A_76] : memref<512xi32, #tpu.memory_space<vmem>> -> memref<128xi32, #tpu.memory_space<vmem>>
    %dma_wait3A_78 = arith.constant 0 : i32
    %dma_wait3A_79 = arith.constant 0 : i32
    %dma_wait3A_80 = tpu.memref_slice %arg5[%dma_wait3A_78, %dma_wait3A_79] : memref<1000000x64xf32, #tpu.memory_space<hbm>> -> memref<1000000x64xf32, #tpu.memory_space<hbm>>
    tpu.wait_indirect_dma semaphore(%arg13 : memref<!tpu.dma_semaphore, #tpu.memory_space<semaphore_mem>>) src(%dma_wait3A_80 : memref<1000000x64xf32, #tpu.memory_space<hbm>>) dst(%dma_wait3A_75 : memref<128x64xf32, #tpu.memory_space<vmem>>)
    %dma_wait3A_81 = arith.constant 128 : i32
    %dma_wait3A_82 = arith.constant 0 : i32
    %dma_wait3A_83 = tpu.memref_slice %arg9[%dma_wait3A_81, %dma_wait3A_82] : memref<512x64xf32, #tpu.memory_space<vmem>> -> memref<128x64xf32, #tpu.memory_space<vmem>>
    %dma_wait3A_84 = arith.constant 128 : i32
    %dma_wait3A_85 = tpu.memref_slice %arg7[%dma_wait3A_84] : memref<512xi32, #tpu.memory_space<vmem>> -> memref<128xi32, #tpu.memory_space<vmem>>
    %dma_wait3A_86 = arith.constant 0 : i32
    %dma_wait3A_87 = arith.constant 0 : i32
    %dma_wait3A_88 = tpu.memref_slice %arg4[%dma_wait3A_86, %dma_wait3A_87] : memref<1000000x64xf32, #tpu.memory_space<hbm>> -> memref<1000000x64xf32, #tpu.memory_space<hbm>>
    tpu.wait_indirect_dma semaphore(%arg12 : memref<!tpu.dma_semaphore, #tpu.memory_space<semaphore_mem>>) src(%dma_wait3A_88 : memref<1000000x64xf32, #tpu.memory_space<hbm>>) dst(%dma_wait3A_83 : memref<128x64xf32, #tpu.memory_space<vmem>>)
    %dma_wait3A_89 = arith.constant 128 : i32
    %dma_wait3A_90 = arith.constant 0 : i32
    %dma_wait3A_91 = tpu.memref_slice %arg10[%dma_wait3A_89, %dma_wait3A_90] : memref<512x64xf32, #tpu.memory_space<vmem>> -> memref<128x64xf32, #tpu.memory_space<vmem>>
    %dma_wait3A_92 = arith.constant 128 : i32
    %dma_wait3A_93 = tpu.memref_slice %arg8[%dma_wait3A_92] : memref<512xi32, #tpu.memory_space<vmem>> -> memref<128xi32, #tpu.memory_space<vmem>>
    %dma_wait3A_94 = arith.constant 0 : i32
    %dma_wait3A_95 = arith.constant 0 : i32
    %dma_wait3A_96 = tpu.memref_slice %arg5[%dma_wait3A_94, %dma_wait3A_95] : memref<1000000x64xf32, #tpu.memory_space<hbm>> -> memref<1000000x64xf32, #tpu.memory_space<hbm>>
    tpu.wait_indirect_dma semaphore(%arg13 : memref<!tpu.dma_semaphore, #tpu.memory_space<semaphore_mem>>) src(%dma_wait3A_96 : memref<1000000x64xf32, #tpu.memory_space<hbm>>) dst(%dma_wait3A_91 : memref<128x64xf32, #tpu.memory_space<vmem>>)
    %dma_wait3A_97 = arith.constant 256 : i32
    %dma_wait3A_98 = arith.constant 0 : i32
    %dma_wait3A_99 = tpu.memref_slice %arg9[%dma_wait3A_97, %dma_wait3A_98] : memref<512x64xf32, #tpu.memory_space<vmem>> -> memref<128x64xf32, #tpu.memory_space<vmem>>
    %dma_wait3A_100 = arith.constant 256 : i32
    %dma_wait3A_101 = tpu.memref_slice %arg7[%dma_wait3A_100] : memref<512xi32, #tpu.memory_space<vmem>> -> memref<128xi32, #tpu.memory_space<vmem>>
    %dma_wait3A_102 = arith.constant 0 : i32
    %dma_wait3A_103 = arith.constant 0 : i32
    %dma_wait3A_104 = tpu.memref_slice %arg4[%dma_wait3A_102, %dma_wait3A_103] : memref<1000000x64xf32, #tpu.memory_space<hbm>> -> memref<1000000x64xf32, #tpu.memory_space<hbm>>
    tpu.wait_indirect_dma semaphore(%arg12 : memref<!tpu.dma_semaphore, #tpu.memory_space<semaphore_mem>>) src(%dma_wait3A_104 : memref<1000000x64xf32, #tpu.memory_space<hbm>>) dst(%dma_wait3A_99 : memref<128x64xf32, #tpu.memory_space<vmem>>)
    %dma_wait3A_105 = arith.constant 256 : i32
    %dma_wait3A_106 = arith.constant 0 : i32
    %dma_wait3A_107 = tpu.memref_slice %arg10[%dma_wait3A_105, %dma_wait3A_106] : memref<512x64xf32, #tpu.memory_space<vmem>> -> memref<128x64xf32, #tpu.memory_space<vmem>>
    %dma_wait3A_108 = arith.constant 256 : i32
    %dma_wait3A_109 = tpu.memref_slice %arg8[%dma_wait3A_108] : memref<512xi32, #tpu.memory_space<vmem>> -> memref<128xi32, #tpu.memory_space<vmem>>
    %dma_wait3A_110 = arith.constant 0 : i32
    %dma_wait3A_111 = arith.constant 0 : i32
    %dma_wait3A_112 = tpu.memref_slice %arg5[%dma_wait3A_110, %dma_wait3A_111] : memref<1000000x64xf32, #tpu.memory_space<hbm>> -> memref<1000000x64xf32, #tpu.memory_space<hbm>>
    tpu.wait_indirect_dma semaphore(%arg13 : memref<!tpu.dma_semaphore, #tpu.memory_space<semaphore_mem>>) src(%dma_wait3A_112 : memref<1000000x64xf32, #tpu.memory_space<hbm>>) dst(%dma_wait3A_107 : memref<128x64xf32, #tpu.memory_space<vmem>>)
    %dma_wait3A_113 = arith.constant 384 : i32
    %dma_wait3A_114 = arith.constant 0 : i32
    %dma_wait3A_115 = tpu.memref_slice %arg9[%dma_wait3A_113, %dma_wait3A_114] : memref<512x64xf32, #tpu.memory_space<vmem>> -> memref<128x64xf32, #tpu.memory_space<vmem>>
    %dma_wait3A_116 = arith.constant 384 : i32
    %dma_wait3A_117 = tpu.memref_slice %arg7[%dma_wait3A_116] : memref<512xi32, #tpu.memory_space<vmem>> -> memref<128xi32, #tpu.memory_space<vmem>>
    %dma_wait3A_118 = arith.constant 0 : i32
    %dma_wait3A_119 = arith.constant 0 : i32
    %dma_wait3A_120 = tpu.memref_slice %arg4[%dma_wait3A_118, %dma_wait3A_119] : memref<1000000x64xf32, #tpu.memory_space<hbm>> -> memref<1000000x64xf32, #tpu.memory_space<hbm>>
    tpu.wait_indirect_dma semaphore(%arg12 : memref<!tpu.dma_semaphore, #tpu.memory_space<semaphore_mem>>) src(%dma_wait3A_120 : memref<1000000x64xf32, #tpu.memory_space<hbm>>) dst(%dma_wait3A_115 : memref<128x64xf32, #tpu.memory_space<vmem>>)
    %dma_wait3A_121 = arith.constant 384 : i32
    %dma_wait3A_122 = arith.constant 0 : i32
    %dma_wait3A_123 = tpu.memref_slice %arg10[%dma_wait3A_121, %dma_wait3A_122] : memref<512x64xf32, #tpu.memory_space<vmem>> -> memref<128x64xf32, #tpu.memory_space<vmem>>
    %dma_wait3A_124 = arith.constant 384 : i32
    %dma_wait3A_125 = tpu.memref_slice %arg8[%dma_wait3A_124] : memref<512xi32, #tpu.memory_space<vmem>> -> memref<128xi32, #tpu.memory_space<vmem>>
    %dma_wait3A_126 = arith.constant 0 : i32
    %dma_wait3A_127 = arith.constant 0 : i32
    %dma_wait3A_128 = tpu.memref_slice %arg5[%dma_wait3A_126, %dma_wait3A_127] : memref<1000000x64xf32, #tpu.memory_space<hbm>> -> memref<1000000x64xf32, #tpu.memory_space<hbm>>
    tpu.wait_indirect_dma semaphore(%arg13 : memref<!tpu.dma_semaphore, #tpu.memory_space<semaphore_mem>>) src(%dma_wait3A_128 : memref<1000000x64xf32, #tpu.memory_space<hbm>>) dst(%dma_wait3A_123 : memref<128x64xf32, #tpu.memory_space<vmem>>)
    %iota3A = tpu.iota {dimensions = array<i32: 0>} : vector<16xi32>
    %scan3A = arith.constant 0 : i32
    %scan3A_129 = arith.constant 0 : i32
    %scan3A_130 = arith.constant 32 : i32
    %scan3A_131 = arith.addi %scan3A_129, %scan3A_130 : i32
    %scan3A_132 = arith.constant 1 : i32
    scf.for %scan3A_134 = %scan3A_129 to %scan3A_131 step %scan3A_132  : i32 {
      %mul3A_135 = arith.constant 16 : i32
      %mul3A_136 = arith.muli %scan3A_134, %mul3A_135 : i32
      %add3A_137 = vector.broadcast %mul3A_136 : i32 to vector<16xi32>
      %add3A_138 = arith.addi %add3A_137, %iota3A : vector<16xi32>
      %broadcast_in_dim3A = arith.constant 0.000000e+00 : f32
      %broadcast_in_dim3A_139 = vector.broadcast %broadcast_in_dim3A : f32 to vector<16xf32>
      %scan3A_140 = arith.constant 0 : i32
      %scan3A_141 = arith.constant 64 : i32
      %scan3A_142 = arith.addi %scan3A_140, %scan3A_141 : i32
      %scan3A_143 = arith.constant 8 : i32
      %scan3A_144 = scf.for %scan3A_156 = %scan3A_140 to %scan3A_142 step %scan3A_143 iter_args(%scan3A_157 = %broadcast_in_dim3A_139) -> (vector<16xf32>)  : i32 {
        %broadcast_in_dim3A_158 = vector.broadcast %scan3A_156 : i32 to vector<16xi32>
        %gather3A = tpu.vector_load_idx %arg9[%add3A_138, %broadcast_in_dim3A_158] : memref<512x64xf32, #tpu.memory_space<vmem>>[vector<16xi32>, vector<16xi32>], vector<16xf32>,
        %gather3A_159 = tpu.vector_load_idx %arg10[%add3A_138, %broadcast_in_dim3A_158] : memref<512x64xf32, #tpu.memory_space<vmem>>[vector<16xi32>, vector<16xi32>], vector<16xf32>,
        %mul3A_160 = arith.mulf %gather3A, %gather3A_159 : vector<16xf32>
        %add3A_161 = arith.addf %scan3A_157, %mul3A_160 : vector<16xf32>
        %scan3A_162 = arith.constant 1 : i32
        %scan3A_163 = arith.addi %scan3A_156, %scan3A_162 : i32
        %broadcast_in_dim3A_164 = vector.broadcast %scan3A_163 : i32 to vector<16xi32>
        %gather3A_165 = tpu.vector_load_idx %arg9[%add3A_138, %broadcast_in_dim3A_164] : memref<512x64xf32, #tpu.memory_space<vmem>>[vector<16xi32>, vector<16xi32>], vector<16xf32>,
        %gather3A_166 = tpu.vector_load_idx %arg10[%add3A_138, %broadcast_in_dim3A_164] : memref<512x64xf32, #tpu.memory_space<vmem>>[vector<16xi32>, vector<16xi32>], vector<16xf32>,
        %mul3A_167 = arith.mulf %gather3A_165, %gather3A_166 : vector<16xf32>
        %add3A_168 = arith.addf %add3A_161, %mul3A_167 : vector<16xf32>
        %scan3A_169 = arith.constant 2 : i32
        %scan3A_170 = arith.addi %scan3A_156, %scan3A_169 : i32
        %broadcast_in_dim3A_171 = vector.broadcast %scan3A_170 : i32 to vector<16xi32>
        %gather3A_172 = tpu.vector_load_idx %arg9[%add3A_138, %broadcast_in_dim3A_171] : memref<512x64xf32, #tpu.memory_space<vmem>>[vector<16xi32>, vector<16xi32>], vector<16xf32>,
        %gather3A_173 = tpu.vector_load_idx %arg10[%add3A_138, %broadcast_in_dim3A_171] : memref<512x64xf32, #tpu.memory_space<vmem>>[vector<16xi32>, vector<16xi32>], vector<16xf32>,
        %mul3A_174 = arith.mulf %gather3A_172, %gather3A_173 : vector<16xf32>
        %add3A_175 = arith.addf %add3A_168, %mul3A_174 : vector<16xf32>
        %scan3A_176 = arith.constant 3 : i32
        %scan3A_177 = arith.addi %scan3A_156, %scan3A_176 : i32
        %broadcast_in_dim3A_178 = vector.broadcast %scan3A_177 : i32 to vector<16xi32>
        %gather3A_179 = tpu.vector_load_idx %arg9[%add3A_138, %broadcast_in_dim3A_178] : memref<512x64xf32, #tpu.memory_space<vmem>>[vector<16xi32>, vector<16xi32>], vector<16xf32>,
        %gather3A_180 = tpu.vector_load_idx %arg10[%add3A_138, %broadcast_in_dim3A_178] : memref<512x64xf32, #tpu.memory_space<vmem>>[vector<16xi32>, vector<16xi32>], vector<16xf32>,
        %mul3A_181 = arith.mulf %gather3A_179, %gather3A_180 : vector<16xf32>
        %add3A_182 = arith.addf %add3A_175, %mul3A_181 : vector<16xf32>
        %scan3A_183 = arith.constant 4 : i32
        %scan3A_184 = arith.addi %scan3A_156, %scan3A_183 : i32
        %broadcast_in_dim3A_185 = vector.broadcast %scan3A_184 : i32 to vector<16xi32>
        %gather3A_186 = tpu.vector_load_idx %arg9[%add3A_138, %broadcast_in_dim3A_185] : memref<512x64xf32, #tpu.memory_space<vmem>>[vector<16xi32>, vector<16xi32>], vector<16xf32>,
        %gather3A_187 = tpu.vector_load_idx %arg10[%add3A_138, %broadcast_in_dim3A_185] : memref<512x64xf32, #tpu.memory_space<vmem>>[vector<16xi32>, vector<16xi32>], vector<16xf32>,
        %mul3A_188 = arith.mulf %gather3A_186, %gather3A_187 : vector<16xf32>
        %add3A_189 = arith.addf %add3A_182, %mul3A_188 : vector<16xf32>
        %scan3A_190 = arith.constant 5 : i32
        %scan3A_191 = arith.addi %scan3A_156, %scan3A_190 : i32
        %broadcast_in_dim3A_192 = vector.broadcast %scan3A_191 : i32 to vector<16xi32>
        %gather3A_193 = tpu.vector_load_idx %arg9[%add3A_138, %broadcast_in_dim3A_192] : memref<512x64xf32, #tpu.memory_space<vmem>>[vector<16xi32>, vector<16xi32>], vector<16xf32>,
        %gather3A_194 = tpu.vector_load_idx %arg10[%add3A_138, %broadcast_in_dim3A_192] : memref<512x64xf32, #tpu.memory_space<vmem>>[vector<16xi32>, vector<16xi32>], vector<16xf32>,
        %mul3A_195 = arith.mulf %gather3A_193, %gather3A_194 : vector<16xf32>
        %add3A_196 = arith.addf %add3A_189, %mul3A_195 : vector<16xf32>
        %scan3A_197 = arith.constant 6 : i32
        %scan3A_198 = arith.addi %scan3A_156, %scan3A_197 : i32
        %broadcast_in_dim3A_199 = vector.broadcast %scan3A_198 : i32 to vector<16xi32>
        %gather3A_200 = tpu.vector_load_idx %arg9[%add3A_138, %broadcast_in_dim3A_199] : memref<512x64xf32, #tpu.memory_space<vmem>>[vector<16xi32>, vector<16xi32>], vector<16xf32>,
        %gather3A_201 = tpu.vector_load_idx %arg10[%add3A_138, %broadcast_in_dim3A_199] : memref<512x64xf32, #tpu.memory_space<vmem>>[vector<16xi32>, vector<16xi32>], vector<16xf32>,
        %mul3A_202 = arith.mulf %gather3A_200, %gather3A_201 : vector<16xf32>
        %add3A_203 = arith.addf %add3A_196, %mul3A_202 : vector<16xf32>
        %scan3A_204 = arith.constant 7 : i32
        %scan3A_205 = arith.addi %scan3A_156, %scan3A_204 : i32
        %broadcast_in_dim3A_206 = vector.broadcast %scan3A_205 : i32 to vector<16xi32>
        %gather3A_207 = tpu.vector_load_idx %arg9[%add3A_138, %broadcast_in_dim3A_206] : memref<512x64xf32, #tpu.memory_space<vmem>>[vector<16xi32>, vector<16xi32>], vector<16xf32>,
        %gather3A_208 = tpu.vector_load_idx %arg10[%add3A_138, %broadcast_in_dim3A_206] : memref<512x64xf32, #tpu.memory_space<vmem>>[vector<16xi32>, vector<16xi32>], vector<16xf32>,
        %mul3A_209 = arith.mulf %gather3A_207, %gather3A_208 : vector<16xf32>
        %add3A_210 = arith.addf %add3A_203, %mul3A_209 : vector<16xf32>
        scf.yield %add3A_210 : vector<16xf32>
      }
      %scan3A_145 = arith.constant 64 : i32
      %neg3A = arith.constant 0.000000e+00 : f32
      %neg3A_146 = vector.broadcast %neg3A : f32 to vector<16xf32>
      %neg3A_147 = arith.subf %neg3A_146, %scan3A_144 : vector<16xf32>
      %exp3A = math.exp %neg3A_147 : vector<16xf32>
      %add3A_148 = arith.constant 1.000000e+00 : f32
      %add3A_149 = vector.broadcast %add3A_148 : f32 to vector<16xf32>
      %add3A_150 = arith.addf %add3A_149, %exp3A : vector<16xf32>
      %div3A = arith.constant 1.000000e+00 : f32
      %div3A_151 = vector.broadcast %div3A : f32 to vector<16xf32>
      %div3A_152 = arith.divf %div3A_151, %add3A_150 : vector<16xf32>
      %mul3A_153 = arith.constant 16 : i32
      %mul3A_154 = arith.muli %scan3A_134, %mul3A_153 : i32
      %swap3A = arith.index_cast %mul3A_154 : i32 to index
      %swap3A_155 = tpu.vector_load %arg11[%swap3A] {strides = array<i32>} : memref<512xf32, #tpu.memory_space<vmem>>, vector<16xf32>,
      tpu.vector_store %arg11[%swap3A], %div3A_152 {strides = array<i32>} : memref<512xf32, #tpu.memory_space<vmem>>, vector<16xf32>,
    }
    %scan3A_133 = arith.constant 32 : i32
    "tpu.region"() ({
      %run_scoped3A = tpu.sem_alloc : memref<!tpu.dma_semaphore, #tpu.memory_space<semaphore_mem>>
      %dma_start3A_134 = tpu.memref_slice %arg6[%mul3A_2] : memref<16384xf32, #tpu.memory_space<hbm>> -> memref<512xf32, #tpu.memory_space<hbm>>
      %dma_start3A_135 = tpu.memref_slice %arg6[%mul3A_2] : memref<16384xf32, #tpu.memory_space<hbm>> -> memref<512xf32, #tpu.memory_space<hbm>>
      tpu.enqueue_dma source(%arg11 : memref<512xf32, #tpu.memory_space<vmem>>) target(%dma_start3A_135 : memref<512xf32, #tpu.memory_space<hbm>>) target_semaphore(%run_scoped3A : memref<!tpu.dma_semaphore, #tpu.memory_space<semaphore_mem>>)
      %dma_wait3A_136 = tpu.memref_slice %arg6[%mul3A_2] : memref<16384xf32, #tpu.memory_space<hbm>> -> memref<512xf32, #tpu.memory_space<hbm>>
      %dma_wait3A_137 = tpu.memref_slice %arg6[%mul3A_2] : memref<16384xf32, #tpu.memory_space<hbm>> -> memref<512xf32, #tpu.memory_space<hbm>>
      tpu.wait_dma2 semaphore(%run_scoped3A : memref<!tpu.dma_semaphore, #tpu.memory_space<semaphore_mem>>) src(%arg11 : memref<512xf32, #tpu.memory_space<vmem>>) dst(%dma_wait3A_137 : memref<512xf32, #tpu.memory_space<hbm>>)
      tpu.yield
    }) : () -> ()
    return
  }
}

</mosaic_0001>

<sc_bundles>
// kernel: kernel.3.cloned.1.call-start
scs
__scs_entry_jumppad:
0x0: {  	(pc) =	sbr.rel $0x88, $3  }
0x1: {  	(tag) =	ssettag $0x0;
	lr =	simm.s32 $0x1  }
0x2: {  	[smem:$0x3F9D] =	sst lr;
	_ =	strace $0xD0000000  }
0x3: {  	_ = 	snop  }
0x4: {  	_ = 	snop  }
0x5: {  	_ = 	snop  }
0x6: {  	_ = 	snop  }
0x7: {  	_ = 	snop  }
__scs_overlays_trampoline_lowered:
0x8: {  	[smem:$0x3FAC] =	sst s0  }
0x9: {  	[smem:$0x3FAD] =	sst s1  }
0xa: {  	[smem:$0x3FAE] =	sst s2  }
0xb: {  	[smem:$0x3FAF] =	sst s3  }
0xc: {  	[smem:$0x3FB0] =	sst s4  }
0xd: {  	[smem:$0x3FB1] =	sst s5  }
0xe: {  	[smem:$0x3FB2] =	sst s6  }
0xf: {  	[smem:$0x3FB3] =	sst s7  }
0x10: {  	[smem:$0x3FB4] =	sst s8  }
0x11: {  	[smem:$0x3FB5] =	sst s9;
	s0 =	simm.s32 @!p0 $0x0  }
0x12: {  	s1 =	sld [smem:$0x3F9B];
	s0 =	simm.s32 @p0 $0x1  }
0x13: {  	[smem:$0x3FB6] =	sst s0;
	s0 =	simm.s32 @!p1 $0x0  }
0x14: {  	s2 =	sld [smem:$0x3F9A];
	s0 =	simm.s32 @p1 $0x1  }
0x15: {  	[smem:$0x3FB7] =	sst s0;
	s0 =	simm.s32 @!p2 $0x0  }
0x16: {  	s3 =	sld [smem:$0x3FDB];
	s0 =	simm.s32 @p2 $0x1  }
0x17: {  	s4 =	simm.s32 $0x1BF5;
	[smem:$0x3FB9] =	sst s0  }
0x18: {  	s0 =	sld [smem:$0x3F9C];
	_ =	swait.ge [sflag:s4], $0x0  }
0x19: {  	s7 =	sld [smem:$0x3F9D]  }
0x1a: {  	s8 =	sadd.s32 $0xFFFFE003, lr  }
0x1b: {  	s9 =	sadd.s32 $0xFFFFFEF7, lr;
	s5 =	simm.s32 $0xFFFFFFFF;
	p2 =	slt.u32 s8, $0xFFFFF086  }
0x1c: {  	p1 =	slt.u32 s9, $0xF7A;
	s5 =	simm.s32 @!p2 $0x0  }
0x1d: {  	s5 =	simm.s32 @p1 $0x1;
	p0 =	seq.s32 s7, s2  }
0x1e: {  	s7 =	smul.u32 @!p0 $0xF7A, s2;
	p2 =	seq.s32 @!p0 s5, $0x0  }
0x1f: {  	s9 =	smul.u32 $0xF7A, s1;
	s8 =	simm.s32 @!p0 $0x1BF5;
	p2 =	por !p2, p0  }
0x20: {  	[sflag:s8] =	ssyncset.s32 @!p0 $0xFFFFF086;
	s6 =	sadd.s32 @!p0 s3, s7;
	s7 =	simm.s32 @!p0 $0x108  }
0x21: {  	s3 =	sadd.s32 s3, s9;
	s6 =	sadd.s32 @!p0 $0x88, s6;
	s7 =	simm.s32 @p2 $0x1082  }
0x22: {  	[simem:s7], [sflag:s8] =	dma.local @!p0 [hbm:s6], $0xF7A  }
0x23: {  	s9 =	sor.u32 $0xD0000000, s2;
	s6 =	simm.s32 $0x108;
	_ =	swait.ge @!p0 [sflag:s8], $0x0  }
0x24: {  	s3 =	sadd.s32 $0x88, s3;
	s6 =	simm.s32 @!p1 $0x1082;
	[sflag:s4] =	ssyncset.s32 $0xFFFFF086  }
0x25: {  	[simem:s6], [sflag:s4] =	dma.local [hbm:s3], $0xF7A  }
0x26: {  	[smem:$0x3F9D] =	sst s1;
	(tag) =	ssettag s2;
	_ =	strace s9  }
0x27: {  	s1 =	sld [smem:$0x3FAD]  }
0x28: {  	s2 =	sld [smem:$0x3FAE]  }
0x29: {  	s4 =	sld [smem:$0x3FB0]  }
0x2a: {  	p0 =	seq.s32 s5, $0x0;
	s5 =	sld [smem:$0x3FB1]  }
0x2b: {  	s6 =	sld [smem:$0x3FB2]  }
0x2c: {  	s7 =	sld [smem:$0x3FB3]  }
0x2d: {  	s3 =	simm.s32 $0x108;
	s8 =	sld [smem:$0x3FB4]  }
0x2e: {  	s3 =	simm.s32 @!p0 $0x1082;
	s9 =	sld [smem:$0x3FB5]  }
0x2f: {  	lr =	sadd.s32 s0, s3;
	s0 =	sld [smem:$0x3FAC]  }
0x30: {  	s3 =	sld [smem:$0x3FAF]  }
0x31: {  	[smem:$0x3FB8] =	sst s10  }
0x32: {  	s10 =	sld [smem:$0x3FB6];
	_ =	sdelay $0x3  }
0x33: {  	p0 =	seq.s32 s10, $0x1;
	s10 =	sld [smem:$0x3FB8];
	_ =	sdelay $0x3  }
0x34: {  	[smem:$0x3FB8] =	sst s10  }
0x35: {  	s10 =	sld [smem:$0x3FB7];
	_ =	sdelay $0x3  }
0x36: {  	p1 =	seq.s32 s10, $0x1;
	s10 =	sld [smem:$0x3FB8];
	_ =	sdelay $0x3  }
0x37: {  	[smem:$0x3FB8] =	sst s10  }
0x38: {  	s10 =	sld [smem:$0x3FB9]  }
0x39: {  	_ = 	snop;
	(pc) =	sbr.ind lr, $3  }
0x3a: {  	_ = 	snop  }
0x3b: {  	_ = 	snop  }
0x3c: {  	p2 =	seq.s32 s10, $0x1;
	s10 =	sld [smem:$0x3FB8]  }
0x3d: {  	_ =	shalt  }
0x3e: {  	_ =	shalt  }
0x3f: {  	_ =	shalt  }
0x40: {  	_ =	shalt  }
0x41: {  	_ =	shalt  }
0x42: {  	_ =	shalt  }
0x43: {  	_ =	shalt  }
0x44: {  	_ =	shalt  }
0x45: {  	_ =	shalt  }
0x46: {  	_ =	shalt  }
0x47: {  	_ =	shalt  }
0x48: {  	_ =	shalt  }
0x49: {  	_ =	shalt  }
0x4a: {  	_ =	shalt  }
0x4b: {  	_ =	shalt  }
0x4c: {  	_ =	shalt  }
0x4d: {  	_ =	shalt  }
0x4e: {  	_ =	shalt  }
0x4f: {  	_ =	shalt  }
0x50: {  	_ =	shalt  }
0x51: {  	_ =	shalt  }
0x52: {  	_ =	shalt  }
0x53: {  	_ =	shalt  }
0x54: {  	_ =	shalt  }
0x55: {  	_ =	shalt  }
0x56: {  	_ =	shalt  }
0x57: {  	_ =	shalt  }
0x58: {  	_ =	shalt  }
0x59: {  	_ =	shalt  }
0x5a: {  	_ =	shalt  }
0x5b: {  	_ =	shalt  }
0x5c: {  	_ =	shalt  }
0x5d: {  	_ =	shalt  }
0x5e: {  	_ =	shalt  }
0x5f: {  	_ =	shalt  }
0x60: {  	_ =	shalt  }
0x61: {  	_ =	shalt  }
0x62: {  	_ =	shalt  }
0x63: {  	_ =	shalt  }
0x64: {  	_ =	shalt  }
0x65: {  	_ =	shalt  }
0x66: {  	_ =	shalt  }
0x67: {  	_ =	shalt  }
0x68: {  	_ =	shalt  }
0x69: {  	_ =	shalt  }
0x6a: {  	_ =	shalt  }
0x6b: {  	_ =	shalt  }
0x6c: {  	_ =	shalt  }
0x6d: {  	_ =	shalt  }
0x6e: {  	_ =	shalt  }
0x6f: {  	_ =	shalt  }
0x70: {  	_ =	shalt  }
0x71: {  	_ =	shalt  }
0x72: {  	_ =	shalt  }
0x73: {  	_ =	shalt  }
0x74: {  	_ =	shalt  }
0x75: {  	_ =	shalt  }
0x76: {  	_ =	shalt  }
0x77: {  	_ =	shalt  }
0x78: {  	_ =	shalt  }
0x79: {  	_ =	shalt  }
0x7a: {  	_ =	shalt  }
0x7b: {  	_ =	shalt  }
0x7c: {  	_ =	shalt  }
0x7d: {  	_ =	shalt  }
0x7e: {  	_ =	shalt  }
0x7f: {  	_ =	shalt  }
0x80: {  	_ =	shalt  }
0x81: {  	_ =	shalt  }
0x82: {  	_ =	shalt  }
0x83: {  	_ =	shalt  }
0x84: {  	_ =	shalt  }
0x85: {  	_ =	shalt  }
0x86: {  	_ =	shalt  }
0x87: {  	_ =	shalt  }
.Lfunc_end0:
.L_simem_size_0:
called_computation_lowered:
.L_overlay_start_0:
0x88: {  	s2 =	sld [smem:$0x3FD9]  }
0x89: {  	s3 =	sld [smem:$0x3FFE];
	_ =	sdelay $0x1  }
0x8a: {  	s1 =	srdreg.scid  }
0x8b: {  	s0 =	sand.u32 $0x1, s1  }
0x8c: {  	s17 =	sshll.u32 s0, $0xA;
	s2 =	sadd.s32 s3, s2  }
0x8d: {  	s2 =	sadd.s32 s2, s17  }
0x8e: {  	[smem:$0x3FC4] =	sst s2  }
0x8f: {  	_ = 	snop  }
0x90: {  	s2 =	sld [smem:$0x3FC9]  }
0x91: {  	s18 =	sld [smem:$0x3FC8]  }
0x92: {  	s4 =	sld [smem:$0x3FD0];
	(tm) =	ssettm $0x1  }
0x93: {  	s5 =	sld [smem:$0x3FFB];
	_ =	sdelay $0x3  }
0x94: {  	_ =	strace s5  }
0x95: {  	s5 =	sld [smem:$0x3FFC];
	_ =	sdelay $0x3  }
0x96: {  	_ =	strace s5  }
0x97: {  	s5 =	sld [smem:$0x3FFD];
	_ =	sdelay $0x3  }
0x98: {  	_ =	strace s5  }
0x99: {  	_ =	strace $0x8FFFFFFF  }
0x9a: {  	s19 =	sld [smem:$0x3FDB];
	_ =	sdelay $0x1  }
0x9b: {  	s6 =	simm.s32 $_scs_section_size  }
0x9c: {  	s7 =	simm.s32 $_size__tile_overlayer_lowered;
	s8 =	simm.s32 $_tile_overlayer_lowered  }
0x9d: {  	s22 =	simm.s32 $0x1BFF;
	s21 =	sshll.u32 s8, $0x1;
	s5 =	sadd.s32 s6, s19  }
0x9e: {  	s9 =	simm.s32 $0x0;
	s20 =	sshll.u32 s7, $0x1;
	s7 =	sadd.s32 s21, s5  }
0x9f: {  	[timem:s9], [sflag:s22] =	dma.local [hbm:s7], s20  }
0xa0: {  	_ =	swait.ge [sflag:s22], s20  }
0xa1: {  	s6 =	ssub.s32 $0x0, s20;
	[sflag:s22] =	ssyncset.done $0x0  }
0xa2: {  	[sflag:s22] =	ssyncadd.s32 s6;
	_ =	sdelay $0x1  }
0xa3: {  	s23 =	simm.s32 $0x1B8B  }
0xa4: {  	_ =	swait.ge [sflag:s23], $0x1  }
0xa5: {  	[sflag:s23] =	ssyncset.done $0x0  }
0xa6: {  	s25 =	simm.s32 $0x1B8E;
	s24 =	sld [smem:$0x3FFE];
	[sflag:s23] =	ssyncadd.s32 $0xFFFFFFFF  }
0xa7: {  	s26 =	simm.s32 $execute0_lowered;
	[smem:$0x3FD2] =	sst s25  }
0xa8: {  	s7 =	sshll.u32 s26, $0x1;
	_ =	strace $0x80000046;
	[dreg:$0x1] =	wrdreg $0xFFFFFFFF  }
0xa9: {  	s28 =	simm.s32 $_size_execute0_lowered;
	s5 =	sadd.s32 s5, s7;
	[dreg:$0x0] =	wrdreg $0x0  }
0xaa: {  	s7 =	sshll.u32 s28, $0x1;
	[dreg:$0x2] =	wrdreg s5  }
0xab: {  	[dreg:$0x3] =	wrdreg s7  }
0xac: {  	[dreg:$0x4] =	wrdreg $0xC0  }
0xad: {  	_ =	task [dreg:s9], $0x5FFFF  }
0xae: {  	[dreg:$0x1] =	wrdreg $0xFFFFFFFF  }
0xaf: {  	[dreg:$0x0] =	wrdreg $0x60  }
0xb0: {  	[dreg:$0x2] =	wrdreg s2  }
0xb1: {  	[dreg:$0x3] =	wrdreg s18  }
0xb2: {  	[dreg:$0x4] =	wrdreg s24  }
0xb3: {  	[dreg:$0x5] =	wrdreg s4  }
0xb4: {  	[dreg:$0x6] =	wrdreg $0x9  }
0xb5: {  	_ =	task.clear_ibuf [dreg:s9], $0x7FFFF;
	_ =	strace $0x90000046  }
0xb6: {  	s29 =	simm.s32 $0x9;
	_ =	strace $0x80000048  }
0xb7: {  	_ =	swait.ge [sflag:s29], $0x1  }
0xb8: {  	[sflag:s29] =	ssyncadd.s32 $0xFFFFFFFF  }
0xb9: {  	_ =	strace $0x90000048  }
0xba: {  	_ =	sfence  }
0xbb: {  	s30 =	sld [smem:$0x0];
	_ =	sdelay $0x2  }
0xbc: {  	s31 =	sshll.u32 s1, $0xD;
	s1 =	sshrl.u32 s1, $0x2  }
0xbd: {  	s3 =	sand.u32 $0x4000, s31;
	s1 =	sadd.s32 s1, s30  }
0xbe: {  	s0 =	sor.u32 s3, s0;
	s1 =	sshll.u32 s1, $0x11  }
0xbf: {  	s0 =	sor.u32 s1, s0  }
0xc0: {  	s0 =	sadd.s32 $0x8F2B, s0  }
0xc1: {  	[sflag:s0] =	ssyncadd.remote.s32 $0x1  }
0xc2: {  	_ =	sfence.sel $0xFFFF  }
0xc3: {  	[dreg:$0x0] =	wrdreg $0xFFFFFFFF;
	(pc) =	sbr.abs _section_cstart, $3  }
0xc4: {  	[dreg:$0x1] =	wrdreg $0xFFFFFFFF  }
0xc5: {  	_ =	task.clear_ibuf [dreg:s9], $0x2FFFF;
	_ =	strace $0x9FFFFFFF  }
0xc6: {  	(tm) =	ssettm $0x7FFFFFFF  }
0xc7: {  	_ =	shalt  }
tec
execute0_lowered:
.L_overlay_start_1:
0x0: {  	(tag) =	ssettag $0x1  }
0x1: {  	s0 =	rddreg [dreg:$0x0]  }
0x2: {  	s6 =	rddreg [dreg:$0x1]  }
0x3: {  	s4 =	rddreg [dreg:$0x2]  }
0x4: {  	s7 =	rddreg [dreg:$0x3];
	s1 =	simm.s32 $0x0;
	s2 =	srdreg.scid  }
0x5: {  	s11 =	simm.s32 $0x80;
	s12 =	simm.s32 $0x400;
	s13 =	simm.s32 $0x8400  }
0x6: {  	s14 =	simm.s32 $0x2400;
	s15 =	simm.s32 $0x280;
	s16 =	simm.s32 $0xA400  }
0x7: {  	s17 =	simm.s32 $0x100;
	s18 =	simm.s32 $0x4400;
	s19 =	simm.s32 $0x300  }
0x8: {  	s20 =	simm.s32 $0xC400;
	s21 =	simm.s32 $0x180;
	s22 =	simm.s32 $0x6400  }
0x9: {  	s23 =	simm.s32 $0x380;
	s24 =	simm.s32 $0xE400;
	s25 =	simm.s32 $0x1  }
0xa: {  	s26 =	simm.s32 $0x2;
	s28 =	simm.s32 $0x10400;
	s29 =	simm.s32 $0x0  }
0xb: {  	[smem:$0x7FF] =	sst s1;
	s5 =	sand.u32 $0x1, s2;
	s3 =	sadd.s32 $0xF42800, s4  }
0xc: {  	s2 =	stileid.u32;
	s4 =	sadd.s32 $0x16E3A00, s4;
	_ =	strace $0x80000047  }
0xd: {  	s8 =	ssub.s32 $0x2, s5;
	s10 =	sshll.u32 s2, $0x7;
	s5 =	sshll.u32 s5, $0x6  }
0xe: {  	s9 =	sshrl.u32 s8, $0x1;
	s31 =	sor.u32 s5, s10;
	s10 =	simm.s32 $0x200  }
0xf: {  	v0 =	vlaneseq.u32;
	v1 =	vimm.s32 $0x0;
	vm0 =	vcmask $0x300;
	s8 =	ssub.s32 s8, s9;
	s5 =	sadd.s32 s0, s31;
	s6 =	sadd.s32 s6, s31  }
0x10: {  	v0 =	vmul.u32 $0x40, v0;
	v1 =	vsel vm0, $0x3, v1;
	s7 =	sadd.s32 s7, s31;
	s9 =	simm.s32 $0x3;
	s8 =	smax.u32 s8, $0x1  }
.LBB2_1:
0x11: {  	[tilespmem:s1], [sflag:$0x3] =	stream.linear.gather [hbm4b:s5+s1], $0x200, $0x38;
	[tilespmem:$0x10600] =	vst v63  }
0x12: {  	_ =	swait.ge [sflag:s9], $0x200  }
0x13: {  	[sflag:s9] =	ssyncset.done $0x0  }
0x14: {  	[sflag:s9] =	ssyncadd.s32 $0xFFFFFE00  }
0x15: {  	[tilespmem:s10], [sflag:$0x3] =	stream.linear.gather [hbm4b:s6+s1], $0x200, $0x38;
	[tilespmem:$0x10600] =	vst v63  }
0x16: {  	_ =	swait.ge [sflag:s9], $0x200  }
0x17: {  	[sflag:s9] =	ssyncset.done $0x0  }
0x18: {  	[sflag:s9] =	ssyncadd.s32 $0xFFFFFE00  }
0x19: {  	[tilespmem:s12], [sflag:$0x1] =	stream.indirect.gather [hbm4b:s3+s11], $0x40, s1, s11, $0xb8;
	[tilespmem:$0x10600] =	vst v63  }
0x1a: {  	_ = 	snop  }
0x1b: {  	[tilespmem:s13], [sflag:$0x2] =	stream.indirect.gather [hbm4b:s4+s11], $0x40, s10, s11, $0xb8;
	[tilespmem:$0x10600] =	vst v63  }
0x1c: {  	_ = 	snop  }
0x1d: {  	[tilespmem:s14], [sflag:$0x1] =	stream.indirect.gather [hbm4b:s3+s11], $0x40, s11, s11, $0xb8;
	[tilespmem:$0x10600] =	vst v63  }
0x1e: {  	_ = 	snop  }
0x1f: {  	[tilespmem:s16], [sflag:$0x2] =	stream.indirect.gather [hbm4b:s4+s11], $0x40, s15, s11, $0xb8;
	[tilespmem:$0x10600] =	vst v63  }
0x20: {  	_ = 	snop  }
0x21: {  	[tilespmem:s18], [sflag:$0x1] =	stream.indirect.gather [hbm4b:s3+s11], $0x40, s17, s11, $0xb8;
	[tilespmem:$0x10600] =	vst v63  }
0x22: {  	_ = 	snop  }
0x23: {  	[tilespmem:s20], [sflag:$0x2] =	stream.indirect.gather [hbm4b:s4+s11], $0x40, s19, s11, $0xb8;
	[tilespmem:$0x10600] =	vst v63  }
0x24: {  	_ = 	snop  }
0x25: {  	[tilespmem:s22], [sflag:$0x1] =	stream.indirect.gather [hbm4b:s3+s11], $0x40, s21, s11, $0xb8;
	[tilespmem:$0x10600] =	vst v63  }
0x26: {  	_ = 	snop  }
0x27: {  	[tilespmem:s24], [sflag:$0x2] =	stream.indirect.gather [hbm4b:s4+s11], $0x40, s23, s11, $0xb8;
	[tilespmem:$0x10600] =	vst v63  }
0x28: {  	_ =	swait.ge [sflag:s25], $0x2000  }
0x29: {  	[sflag:s25] =	ssyncset.done $0x0  }
0x2a: {  	[sflag:s25] =	ssyncadd.s32 $0xFFFFE000  }
0x2b: {  	_ =	swait.ge [sflag:s26], $0x2000  }
0x2c: {  	[sflag:s26] =	ssyncset.done $0x0  }
0x2d: {  	[sflag:s26] =	ssyncadd.s32 $0xFFFFE000  }
0x2e: {  	_ =	swait.ge [sflag:s25], $0x2000  }
0x2f: {  	[sflag:s25] =	ssyncset.done $0x0  }
0x30: {  	[sflag:s25] =	ssyncadd.s32 $0xFFFFE000  }
0x31: {  	_ =	swait.ge [sflag:s26], $0x2000  }
0x32: {  	[sflag:s26] =	ssyncset.done $0x0  }
0x33: {  	[sflag:s26] =	ssyncadd.s32 $0xFFFFE000  }
0x34: {  	_ =	swait.ge [sflag:s25], $0x2000  }
0x35: {  	[sflag:s25] =	ssyncset.done $0x0  }
0x36: {  	[sflag:s25] =	ssyncadd.s32 $0xFFFFE000  }
0x37: {  	_ =	swait.ge [sflag:s26], $0x2000  }
0x38: {  	[sflag:s26] =	ssyncset.done $0x0  }
0x39: {  	[sflag:s26] =	ssyncadd.s32 $0xFFFFE000  }
0x3a: {  	_ =	swait.ge [sflag:s25], $0x2000  }
0x3b: {  	[sflag:s25] =	ssyncset.done $0x0  }
0x3c: {  	[sflag:s25] =	ssyncadd.s32 $0xFFFFE000  }
0x3d: {  	_ =	swait.ge [sflag:s26], $0x2000  }
0x3e: {  	[sflag:s26] =	ssyncset.done $0x0  }
0x3f: {  	s30 =	simm.s32 $0x0;
	[sflag:s26] =	ssyncadd.s32 $0xFFFFE000  }
.LBB2_2:
0x40: {  	s0 =	simm.s32 $0x0  }
0x41: {  	v2 =	vmov s0  }
0x42: {  	s31 =	sshll.u32 s30, $0x4;
	v2 =	vshrl.u32 v2, $0x3  }
0x43: {  	v3 =	vmov s31;
	v4 =	vshll.u32 v2, v1  }
0x44: {  	v2 =	vshll.u32 v3, $0x6;
	v3 =	vbroadcast v4, $0x0  }
0x45: {  	v2 =	vor.u32 v0, v2;
	v5 =	vor.u32 $0x1, v4  }
0x46: {  	v5 =	vbroadcast v5, $0x0;
	v3 =	vor.u32 v2, v3  }
0x47: {  	v6 =	vor.u32 $0x2, v4  }
0x48: {  	v6 =	vbroadcast v6, $0x0;
	v5 =	vor.u32 v2, v5  }
0x49: {  	v7 =	vor.u32 $0x3, v4  }
0x4a: {  	v8 =	vor.u32 $0x4, v4;
	v7 =	vbroadcast v7, $0x0;
	v6 =	vor.u32 v2, v6  }
0x4b: {  	v8 =	vbroadcast v8, $0x0;
	v9 =	vld.idx.msk [tilespmem:v3+s12+$0x0], $0xffff  }
0x4c: {  	v7 =	vor.u32 v2, v7;
	v10 =	vld.idx.msk [tilespmem:v3+s13+$0x0], $0xffff  }
0x4d: {  	v8 =	vor.u32 v2, v8;
	v3 =	vor.u32 $0x5, v4;
	v11 =	vld.idx.msk [tilespmem:v5+s12+$0x0], $0xffff  }
0x4e: {  	v3 =	vbroadcast v3, $0x0;
	v5 =	vld.idx.msk [tilespmem:v5+s13+$0x0], $0xffff  }
0x4f: {  	v13 =	vor.u32 $0x6, v4;
	v14 =	vld.idx.msk [tilespmem:v6+s12+$0x0], $0xffff  }
0x50: {  	s0 =	simm.s32 $0x8;
	v13 =	vbroadcast v13, $0x0;
	v4 =	vor.u32 $0x7, v4;
	v6 =	vld.idx.msk [tilespmem:v6+s13+$0x0], $0xffff;
	v15 =	vor.u32 v2, v3  }
0x51: {  	v12 =	vmov s0;
	v4 =	vbroadcast v4, $0x0;
	v16 =	vld.idx.msk [tilespmem:v7+s13+$0x0], $0xffff  }
0x52: {  	v12 =	vshrl.u32 v12, $0x3;
	v13 =	vor.u32 v2, v13;
	v18 =	vld.idx.msk [tilespmem:v8+s12+$0x0], $0xffff;
	v9 =	vmul.f32 v10, v9  }
0x53: {  	v3 =	vshll.u32 v12, v1;
	v12 =	vld.idx.msk [tilespmem:v7+s12+$0x0], $0xffff;
	v7 =	vimm.f32 $0.0e+00;
	v20 =	vor.u32 v2, v4  }
0x54: {  	v19 =	vld.idx.msk [tilespmem:v8+s13+$0x0], $0xffff;
	v10 =	vbroadcast v3, $0x0;
	v5 =	vmul.f32 v5, v11;
	v7 =	vadd.f32 v9, v7  }
0x55: {  	v11 =	vor.u32 $0x2, v3;
	v6 =	vmul.f32 v6, v14;
	v9 =	vor.u32 $0x1, v3;
	v4 =	vld.idx.msk [tilespmem:v15+s12+$0x0], $0xffff  }
0x56: {  	v8 =	vor.u32 v2, v10;
	v10 =	vld.idx.msk [tilespmem:v15+s13+$0x0], $0xffff;
	v9 =	vbroadcast v9, $0x0;
	v5 =	vadd.f32 v5, v7  }
0x57: {  	v14 =	vor.u32 $0x3, v3;
	v15 =	vbroadcast v11, $0x0;
	v7 =	vld.idx.msk [tilespmem:v13+s12+$0x0], $0xffff  }
0x58: {  	v12 =	vmul.f32 v16, v12;
	v13 =	vld.idx.msk [tilespmem:v13+s13+$0x0], $0xffff;
	v11 =	vor.u32 v2, v9;
	v6 =	vadd.f32 v6, v5  }
0x59: {  	v18 =	vmul.f32 v19, v18;
	v14 =	vbroadcast v14, $0x0;
	v5 =	vld.idx.msk [tilespmem:v20+s12+$0x0], $0xffff  }
0x5a: {  	v16 =	vor.u32 $0x4, v3;
	v9 =	vor.u32 v2, v15;
	v17 =	vadd.f32 v12, v6;
	v12 =	vld.idx.msk [tilespmem:v20+s13+$0x0], $0xffff  }
0x5b: {  	v15 =	vbroadcast v16, $0x0;
	v16 =	vor.u32 $0x5, v3;
	v6 =	vld.idx.msk [tilespmem:v8+s12+$0x0], $0xffff  }
.LBB2_3:
0x5c: {  	s0 =	sadd.s32 $0x8, s0;
	v8 =	vld.idx.msk [tilespmem:v8+s13+$0x0], $0xffff;
	v14 =	vor.u32 v2, v14;
	v17 =	vadd.f32 v18, v17;
	v4 =	vmul.f32 v10, v4  }
0x5d: {  	v16 =	vbroadcast v16, $0x0;
	v19 =	vor.u32 $0x6, v3;
	v10 =	vmov s0;
	v18 =	vld.idx.msk [tilespmem:v11+s12+$0x0], $0xffff  }
0x5e: {  	v15 =	vor.u32 v2, v15;
	v7 =	vmul.f32 v13, v7;
	v11 =	vld.idx.msk [tilespmem:v11+s13+$0x0], $0xffff;
	v4 =	vadd.f32 v4, v17  }
0x5f: {  	v10 =	vshrl.u32 v10, $0x3;
	v17 =	vbroadcast v19, $0x0;
	v19 =	vor.u32 $0x7, v3;
	v13 =	vld.idx.msk [tilespmem:v9+s12+$0x0], $0xffff  }
0x60: {  	v16 =	vor.u32 v2, v16;
	v5 =	vmul.f32 v12, v5;
	v9 =	vld.idx.msk [tilespmem:v9+s13+$0x0], $0xffff;
	v4 =	vadd.f32 v7, v4  }
0x61: {  	p0 =	slt.u32 s0, $0x38;
	v3 =	vshll.u32 v10, v1;
	v7 =	vbroadcast v19, $0x0;
	v12 =	vld.idx.msk [tilespmem:v14+s12+$0x0], $0xffff  }
0x62: {  	v17 =	vor.u32 v2, v17;
	v6 =	vmul.f32 v8, v6;
	v14 =	vld.idx.msk [tilespmem:v14+s13+$0x0], $0xffff;
	v4 =	vadd.f32 v5, v4  }
0x63: {  	v8 =	vor.u32 $0x1, v3;
	v5 =	vbroadcast v3, $0x0;
	v19 =	vld.idx.msk [tilespmem:v15+s12+$0x0], $0xffff  }
0x64: {  	v20 =	vor.u32 v2, v7;
	v10 =	vmul.f32 v11, v18;
	v6 =	vadd.f32 v6, v4;
	v15 =	vld.idx.msk [tilespmem:v15+s13+$0x0], $0xffff  }
0x65: {  	v7 =	vor.u32 $0x2, v3;
	v11 =	vbroadcast v8, $0x0;
	v4 =	vld.idx.msk [tilespmem:v16+s12+$0x0], $0xffff  }
0x66: {  	v8 =	vor.u32 v2, v5;
	v5 =	vadd.f32 v10, v6;
	v6 =	vmul.f32 v9, v13;
	v10 =	vld.idx.msk [tilespmem:v16+s13+$0x0], $0xffff  }
.Ltmp0:
0x67: {  	v9 =	vbroadcast v7, $0x0;
	v16 =	vor.u32 $0x3, v3;
	v7 =	vld.idx.msk [tilespmem:v17+s12+$0x0], $0xffff;
	(pc) =	sbr.rel @p0 .LBB2_3-.Ltmp0, $4  }
0x68: {  	v11 =	vor.u32 v2, v11;
	v12 =	vmul.f32 v14, v12;
	v6 =	vadd.f32 v6, v5;
	v13 =	vld.idx.msk [tilespmem:v17+s13+$0x0], $0xffff  }
0x69: {  	v14 =	vbroadcast v16, $0x0;
	v16 =	vor.u32 $0x4, v3;
	v5 =	vld.idx.msk [tilespmem:v20+s12+$0x0], $0xffff  }
0x6a: {  	v9 =	vor.u32 v2, v9;
	v18 =	vmul.f32 v15, v19;
	v17 =	vadd.f32 v12, v6;
	v12 =	vld.idx.msk [tilespmem:v20+s13+$0x0], $0xffff  }
0x6b: {  	v15 =	vbroadcast v16, $0x0;
	v16 =	vor.u32 $0x5, v3;
	v6 =	vld.idx.msk [tilespmem:v8+s12+$0x0], $0xffff  }
0x6c: {  	_ =	sdelay $0x2  }
0x6d: {  	v17 =	vadd.f32 v18, v17;
	v4 =	vmul.f32 v10, v4  }
0x6e: {  	v8 =	vld.idx.msk [tilespmem:v8+s13+$0x0], $0xffff;
	v43 =	vor.u32 v2, v14  }
0x6f: {  	v44 =	vld.idx.msk [tilespmem:v11+s12+$0x0], $0xffff;
	v7 =	vmul.f32 v13, v7;
	v4 =	vadd.f32 v4, v17  }
0x70: {  	v45 =	vbroadcast v16, $0x0;
	v46 =	vld.idx.msk [tilespmem:v11+s13+$0x0], $0xffff;
	v15 =	vor.u32 v2, v15  }
0x71: {  	v47 =	vor.u32 $0x6, v3;
	v48 =	vld.idx.msk [tilespmem:v9+s12+$0x0], $0xffff;
	v5 =	vmul.f32 v12, v5;
	v4 =	vadd.f32 v7, v4  }
0x72: {  	v50 =	vld.idx.msk [tilespmem:v9+s13+$0x0], $0xffff;
	v49 =	vbroadcast v47, $0x0;
	v51 =	vor.u32 v2, v45  }
0x73: {  	v3 =	vor.u32 $0x7, v3;
	v52 =	vld.idx.msk [tilespmem:v43+s12+$0x0], $0xffff;
	v6 =	vmul.f32 v8, v6;
	v4 =	vadd.f32 v5, v4  }
0x74: {  	v3 =	vbroadcast v3, $0x0;
	v7 =	vor.u32 v2, v49;
	v53 =	vld.idx.msk [tilespmem:v43+s13+$0x0], $0xffff  }
0x75: {  	v55 =	vmul.f32 v46, v44;
	v54 =	vld.idx.msk [tilespmem:v15+s12+$0x0], $0xffff;
	v4 =	vadd.f32 v6, v4  }
0x76: {  	v2 =	vor.u32 v2, v3;
	v56 =	vld.idx.msk [tilespmem:v15+s13+$0x0], $0xffff  }
0x77: {  	v57 =	vmul.f32 v50, v48;
	v3 =	vld.idx.msk [tilespmem:v51+s12+$0x0], $0xffff;
	v4 =	vadd.f32 v55, v4  }
0x78: {  	v58 =	vld.idx.msk [tilespmem:v51+s13+$0x0], $0xffff  }
0x79: {  	v59 =	vld.idx.msk [tilespmem:v7+s12+$0x0], $0xffff;
	v5 =	vmul.f32 v53, v52;
	v4 =	vadd.f32 v57, v4  }
0x7a: {  	v60 =	vld.idx.msk [tilespmem:v7+s13+$0x0], $0xffff  }
0x7b: {  	v61 =	vld.idx.msk [tilespmem:v2+s12+$0x0], $0xffff;
	v62 =	vmul.f32 v56, v54;
	v4 =	vadd.f32 v5, v4  }
0x7c: {  	v2 =	vld.idx.msk [tilespmem:v2+s13+$0x0], $0xffff  }
0x7d: {  	v3 =	vmul.f32 v58, v3;
	v4 =	vadd.f32 v62, v4;
	_ =	sdelay $0x1  }
0x7e: {  	v63 =	vmul.f32 v60, v59;
	v3 =	vadd.f32 v3, v4;
	_ =	sdelay $0x1  }
0x7f: {  	v2 =	vmul.f32 v2, v61;
	v3 =	vadd.f32 v63, v3;
	_ =	sdelay $0x1  }
0x80: {  	v2 =	vadd.f32 v2, v3;
	_ =	sdelay $0x1  }
0x81: {  	v2 =	vsub.f32 $0.0e+00, v2;
	_ =	sdelay $0x1  }
0x82: {  	v2 =	vmul.f32 $1.442695020e+00, v2;
	_ =	sdelay $0x1  }
0x83: {  	(erf) = vpow2.f32 v2;
	_ =	sdelay $0x8  }
0x84: {  	v2 =	vpop (erf)  }
0x85: {  	v2 =	vadd.f32 $1.000000000e+00, v2;
	_ =	sdelay $0x1  }
0x86: {  	(erf) = vrcp.f32 v2;
	_ =	sdelay $0x3  }
0x87: {  	s30 =	sadd.s32 $0x1, s30  }
0x88: {  	p0 =	sne.s32 s30, $0x20  }
.Ltmp1:
0x89: {  	_ = 	snop;
	(pc) =	sbr.rel @p0 .LBB2_2-.Ltmp1, $3  }
0x8a: {  	_ =	sdelay $0x1  }
0x8b: {  	v2 =	vpop (erf)  }
0x8c: {  	[tilespmem:s31+$0x10400] =	vst v2  }
0x8d: {  	s29 =	sadd.s32 $0x1, s29  }
0x8e: {  	p0 =	sne.s32 s29, s8  }
.Ltmp2:
0x8f: {  	_ = 	snop;
	(pc) =	sbr.rel @p0 .LBB2_1-.Ltmp2, $4  }
0x90: {  	[hbm4b:s7+s1] =	stream.linear.scatter [tilespmem:s28], [sflag:$0x3], $0x200, $0x38;
	[tilespmem:$0x10600] =	vst v63  }
0x91: {  	_ =	swait.ge [sflag:s9], $0x200  }
0x92: {  	[sflag:s9] =	ssyncset.done $0x0  }
0x93: {  	[sflag:s9] =	ssyncadd.s32 $0xFFFFFE00  }
0x94: {  	_ =	sfence.sel $0x180000  }
0x95: {  	[bflag:$0x0] =	sbarrier.arrive $0xFFFF  }
0x96: {  	_ =	strace $0x90000047  }
0x97: {  	[bflag:$0x2] =	sbarrier.arrive $0xFFFF  }
0x98: {  	p0 =	sne.s32 s2, $0x0;
	s0 =	rddreg [dreg:$0x4]  }
0x99: {  	s0 =	sadd.s32 @!p0 $0x100000, s0  }
0x9a: {  	[sflag:s0] =	ssyncadd.tile.s32 @!p0 $0x1;
	_ =	shalt  }
.Lfunc_end2:
_tile_overlayer_lowered:
.L_overlay_start_2:
0x9b: {  	(tag) =	ssettag $0x2  }
0x9c: {  	s0 =	rddreg [dreg:$0x0];
	s2 =	stileid.u32  }
0x9d: {  	s1 =	rddreg [dreg:$0x1];
	p0 =	sne.s32 s2, $0x0  }
0x9e: {  	s3 =	rddreg [dreg:$0x2];
	[bflag:$0x3] =	sbarrier.arrive $0xFFFF;
	s2 =	simm.s32 @!p0 $0x1C03  }
0x9f: {  	[timem:s3], [sflag:s2] =	dma.local @!p0 [hbm:s0], s1  }
0xa0: {  	s0 =	simm.s32 @!p0 $0x3  }
0xa1: {  	_ =	swait.ge @!p0 [sflag:s0], s1  }
0xa2: {  	s1 =	ssub.s32 @!p0 $0x0, s1;
	[sflag:s0] =	ssyncset.done @!p0 $0x0  }
0xa3: {  	[sflag:s0] =	ssyncadd.s32 @!p0 s1  }
0xa4: {  	[bflag:$0x3] =	sbarrier.arrive $0xFFFF  }
0xa5: {  	_ =	shalt  }

</sc_bundles>
